<compile_context>
chip_gen: v7x
topology: tpu7x:2x2x1
jax: 0.10.2.dev20260603
libtpu: 0.0.44.dev20260713+nightly
codegen_flags: <defaults>
</compile_context>

<pallas_src>
import functools

import jax
import jax.numpy as jnp
from jax import lax
from jax.experimental import pallas as pl
from jax.experimental.pallas import tpu as pltpu
from jax.experimental.pallas import tpu_sc as plsc

N = 5000
M = 5120
B = 1024
NB = M // B
CH = 1024
NCH = M // CH
IOU_THR = 0.5
_F = (1.0 + IOU_THR) / IOU_THR

D = 128
V = 5008

_NC = 2
_NS = 16
_NW = _NC * _NS
_BPW = M // _NW
_IC = 2
_ICW = _BPW // _IC



def _sc_gather_body(tab_hbm, idx_hbm, out_hbm, idx_v, rows_v, sem):
    wid = lax.axis_index("s") * _NC + lax.axis_index("c")
    base = wid * _BPW
    pltpu.sync_copy(idx_hbm.at[pl.ds(wid * _IC, _IC)], idx_v)
    for j in range(_IC):
        pltpu.async_copy(tab_hbm.at[idx_v.at[j]],
                         rows_v.at[pl.ds(j * _ICW, _ICW)], sem).wait()
    pltpu.sync_copy(rows_v, out_hbm.at[pl.ds(base, _BPW)])


@functools.partial(
    pl.kernel,
    mesh=plsc.VectorSubcoreMesh(core_axis_name="c", subcore_axis_name="s"),
    out_type=jax.ShapeDtypeStruct((M, D), jnp.float32),
    scratch_types=[
        pltpu.VMEM((_IC, _ICW), jnp.int32),
        pltpu.VMEM((_BPW, D), jnp.float32),
        pltpu.SemaphoreType.DMA,
    ],
)
def _sc_gather(tab_hbm, idx_hbm, out_hbm, idx_v, rows_v, sem):
    _sc_gather_body(tab_hbm, idx_hbm, out_hbm, idx_v, rows_v, sem)



def _iou_mask(rx1, ry1, rx2, ry2, ra, cx1, cy1, cx2, cy2, ca):
    ltx = jnp.maximum(rx1, cx1)
    lty = jnp.maximum(ry1, cy1)
    rbx = jnp.minimum(rx2, cx2)
    rby = jnp.minimum(ry2, cy2)
    w = jnp.maximum(rbx - ltx, 0.0)
    h = rby - lty
    inter3 = (_F * w) * h
    sa = ra + ca
    return (inter3 > sa).astype(jnp.bfloat16)


def _nms_body(tab, keep_ref, cf):
    blk = pl.program_id(0)

    @pl.when(blk == 0)
    def _init():
        keep_ref[...] = jnp.ones((1, M), jnp.float32)
        t = jnp.transpose(tab[:, 0:8], (1, 0))
        cf[0:8, :] = t
        cf[5:6, :] = (t[2:3, :] - t[0:1, :]) * (t[3:4, :] - t[1:2, :])

    base = blk * B

    def rows(c):
        return tab[pl.ds(pl.multiple_of(base, 8), B), c:c + 1]

    rx1, ry1, rx2, ry2 = rows(0), rows(1), rows(2), rows(3)
    ra = (rx2 - rx1) * (ry2 - ry1)

    def cols(c, off, w):
        return cf[c:c + 1, pl.ds(pl.multiple_of(off, 128), w)]

    m = _iou_mask(rx1, ry1, rx2, ry2, ra,
                  cols(0, base, B), cols(1, base, B),
                  cols(2, base, B), cols(3, base, B), cols(5, base, B))
    rix = lax.broadcasted_iota(jnp.int32, (B, B), 0)
    cix = lax.broadcasted_iota(jnp.int32, (B, B), 1)
    m = jnp.where(rix < cix, m, jnp.bfloat16(0))

    init = keep_ref[:, pl.ds(pl.multiple_of(base, 128), B)]

    def cond(c):
        return jnp.logical_not(c[1])

    def body(c):
        k, _ = c
        sup = lax.dot_general(k.astype(jnp.bfloat16), m,
                              (((1,), (0,)), ((), ())),
                              preferred_element_type=jnp.float32)
        k2 = jnp.where(sup > 0.0, 0.0, init)
        return k2, jnp.all(k2 == k)

    k, _ = lax.while_loop(cond, body, (init, jnp.array(False)))
    keep_ref[:, pl.ds(pl.multiple_of(base, 128), B)] = k

    bnd = base + B
    kb = k.astype(jnp.bfloat16)

    def chunk(c, _):
        off = c * CH
        mt = _iou_mask(rx1, ry1, rx2, ry2, ra,
                       cols(0, off, CH), cols(1, off, CH),
                       cols(2, off, CH), cols(3, off, CH), cols(5, off, CH))
        sup = lax.dot_general(kb, mt, (((1,), (0,)), ((), ())),
                              preferred_element_type=jnp.float32)
        gcol = off + lax.broadcasted_iota(jnp.int32, (1, CH), 1)
        old = keep_ref[:, pl.ds(pl.multiple_of(off, 128), CH)]
        keep_ref[:, pl.ds(pl.multiple_of(off, 128), CH)] = jnp.where(
            (sup > 0.0) & (gcol >= bnd), 0.0, old)
        return 0

    lax.fori_loop((blk + 1) * B // CH, NCH, chunk, 0)


@jax.jit
def kernel(boxes, scores):
    order = jnp.argsort(-scores)
    order_p = jnp.concatenate(
        [order, jnp.full((M - N,), N, order.dtype)]).reshape(_NW * _IC, _ICW)
    tab0 = jnp.concatenate(
        [boxes, scores[:, None], jnp.zeros((N, D - 5), jnp.float32)], axis=1)
    tabv = jnp.concatenate(
        [tab0, jnp.zeros((V - N, D), jnp.float32)], axis=0)

    tabp = _sc_gather(tabv, order_p)

    keep = pl.pallas_call(
        _nms_body,
        grid=(NB,),
        in_specs=[pl.BlockSpec((M, D), lambda i: (0, 0))],
        out_specs=pl.BlockSpec((1, M), lambda i: (0, 0)),
        out_shape=jax.ShapeDtypeStruct((1, M), jnp.float32),
        scratch_shapes=[pltpu.VMEM((8, M), jnp.float32)],
    )(tabp)

    km = keep.reshape(M)[:N]
    return tabp[:N, :5] * km[:, None]

# --- scband reference (transcript-rebuilt; emitter-appended) ---
"""Pipeline reference for scband-two-stage-detector-rs-hbb-56667798503492 (READ-ONLY COPY).

The authoritative reference and input builder live on the scoring server;
editing this copy changes nothing except your own understanding.
"""

import jax, jax.numpy as jnp
import numpy as np

N = 5000
IOU_THR = 0.5


def setup_inputs(seed: int = 0) -> dict:
    key = jax.random.key(seed)
    k1, k2, k3 = jax.random.split(key, 3)
    # Valid [tl_x, tl_y, br_x, br_y] boxes inside a 1024x1024 image
    xy = jax.random.uniform(k1, (N, 2), minval=0.0, maxval=960.0)
    wh = jax.random.uniform(k2, (N, 2), minval=4.0, maxval=96.0)
    boxes = jnp.concatenate([xy, xy + wh], axis=1).astype(jnp.float32)
    scores = jax.random.uniform(k3, (N,), dtype=jnp.float32)
    return {"boxes": boxes, "scores": scores}


def _iou_matrix(b):
    area = (b[:, 2] - b[:, 0]) * (b[:, 3] - b[:, 1])
    lt = jnp.maximum(b[:, None, :2], b[None, :, :2])
    rb = jnp.minimum(b[:, None, 2:], b[None, :, 2:])
    wh = jnp.clip(rb - lt, 0.0)
    inter = wh[..., 0] * wh[..., 1]
    union = area[:, None] + area[None, :] - inter
    return inter / (union + 1e-9)


def _nms_keep(boxes, scores, thr):
    n = boxes.shape[0]
    order = jnp.argsort(-scores)
    b = boxes[order]
    iou = _iou_matrix(b)
    idx = jnp.arange(n)

    def body(i, keep):
        # if box i is still alive, suppress all lower-scored boxes with IoU > thr
        sup = (iou[i] > thr) & keep[i] & (idx > i)
        return keep & (~sup)

    keep = jax.lax.fori_loop(0, n, body, jnp.ones((n,), dtype=bool))
    return order, keep


def reference(boxes, scores):
    # Greedy hard-NMS as used in the detector's test_cfg (iou_threshold=0.5).
    # Returns a dense [N, 5] tensor: score-sorted [x1, y1, x2, y2, score],
    # with suppressed rows zeroed (fixed shape, jit-friendly padding).
    order, keep = _nms_keep(jax.lax.stop_gradient(boxes), jax.lax.stop_gradient(scores), IOU_THR)
    b = boxes[order]
    s = scores[order]
    km = keep.astype(boxes.dtype)
    out = jnp.concatenate([b * km[:, None], (s * km)[:, None]], axis=1)
    return out

if __name__ == "__main__":
    import jax
    _d = setup_inputs()
    print(jax.jit(kernel)(*tuple(_d.values())))

</pallas_src>

<mosaic_0001>
#map = affine_map<(d0, d1) -> (0, 0)>
module attributes {stable_mosaic.version = 14 : i64} {
  func.func @_sc_gather(%arg0: i32, %arg1: i32, %arg2: memref<5008x128xf32, #tpu.memory_space<hbm>>, %arg3: memref<64x80xi32, #tpu.memory_space<hbm>>, %arg4: memref<5120x128xf32, #tpu.memory_space<hbm>>, %arg5: memref<2x80xi32, #tpu.memory_space<vmem>>, %arg6: memref<160x128xf32, #tpu.memory_space<vmem>>, %arg7: memref<!tpu.dma_semaphore, #tpu.memory_space<semaphore_mem>>) attributes {dimension_semantics = [#tpu.dimension_semantics<core_parallel>, #tpu.dimension_semantics<subcore_parallel>], iteration_bounds = array<i64: 2, 16>, scalar_prefetch = 0 : i64, scratch_operands = 3 : i64, tpu.core_type = #tpu.core_type<sc_vector_subcore>, window_params = [{transform_indices = #map}, {transform_indices = #map}, {transform_indices = #map}]} {
    %mul3A = arith.constant 2 : i32
    %mul3A_0 = arith.muli %arg1, %mul3A : i32
    %add3A = arith.addi %mul3A_0, %arg0 : i32
    %mul3A_1 = arith.constant 160 : i32
    %mul3A_2 = arith.muli %add3A, %mul3A_1 : i32
    %mul3A_3 = arith.constant 2 : i32
    %mul3A_4 = arith.muli %add3A, %mul3A_3 : i32
    "tpu.region"() ({
      %run_scoped3A = tpu.sem_alloc : memref<!tpu.dma_semaphore, #tpu.memory_space<semaphore_mem>>
      %dma_start3A_43 = arith.constant 0 : i32
      %dma_start3A_44 = tpu.memref_slice %arg3[%mul3A_4, %dma_start3A_43] : memref<64x80xi32, #tpu.memory_space<hbm>> -> memref<2x80xi32, #tpu.memory_space<hbm>>
      %dma_start3A_45 = arith.constant 0 : i32
      %dma_start3A_46 = tpu.memref_slice %arg3[%mul3A_4, %dma_start3A_45] : memref<64x80xi32, #tpu.memory_space<hbm>> -> memref<2x80xi32, #tpu.memory_space<hbm>>
      tpu.enqueue_dma source(%dma_start3A_46 : memref<2x80xi32, #tpu.memory_space<hbm>>) target(%arg5 : memref<2x80xi32, #tpu.memory_space<vmem>>) target_semaphore(%run_scoped3A : memref<!tpu.dma_semaphore, #tpu.memory_space<semaphore_mem>>)
      %dma_wait3A_47 = arith.constant 0 : i32
      %dma_wait3A_48 = tpu.memref_slice %arg3[%mul3A_4, %dma_wait3A_47] : memref<64x80xi32, #tpu.memory_space<hbm>> -> memref<2x80xi32, #tpu.memory_space<hbm>>
      %dma_wait3A_49 = arith.constant 0 : i32
      %dma_wait3A_50 = tpu.memref_slice %arg3[%mul3A_4, %dma_wait3A_49] : memref<64x80xi32, #tpu.memory_space<hbm>> -> memref<2x80xi32, #tpu.memory_space<hbm>>
      tpu.wait_dma2 semaphore(%run_scoped3A : memref<!tpu.dma_semaphore, #tpu.memory_space<semaphore_mem>>) src(%dma_wait3A_50 : memref<2x80xi32, #tpu.memory_space<hbm>>) dst(%arg5 : memref<2x80xi32, #tpu.memory_space<vmem>>)
      tpu.yield
    }) : () -> ()
    %dma_start3A = arith.constant 0 : i32
    %dma_start3A_5 = arith.constant 0 : i32
    %dma_start3A_6 = arith.constant 0 : i32
    %dma_start3A_7 = tpu.memref_slice %arg6[%dma_start3A_5, %dma_start3A_6] : memref<160x128xf32, #tpu.memory_space<vmem>> -> memref<80x128xf32, #tpu.memory_space<vmem>>
    %dma_start3A_8 = arith.constant 0 : i32
    %dma_start3A_9 = tpu.memref_slice %arg5[%dma_start3A, %dma_start3A_8] : memref<2x80xi32, #tpu.memory_space<vmem>> -> memref<1x80xi32, #tpu.memory_space<vmem>>
    %dma_start3A_10 = tpu.memref_squeeze %dma_start3A_9 : memref<1x80xi32, #tpu.memory_space<vmem>> -> memref<80xi32, #tpu.memory_space<vmem>>
    %dma_start3A_11 = arith.constant 0 : i32
    %dma_start3A_12 = arith.constant 0 : i32
    %dma_start3A_13 = tpu.memref_slice %arg2[%dma_start3A_11, %dma_start3A_12] : memref<5008x128xf32, #tpu.memory_space<hbm>> -> memref<5008x128xf32, #tpu.memory_space<hbm>>
    tpu.enqueue_indirect_dma source(%dma_start3A_13 : memref<5008x128xf32, #tpu.memory_space<hbm>>) target(%dma_start3A_7 : memref<80x128xf32, #tpu.memory_space<vmem>>) offsets(%dma_start3A_10 : memref<80xi32, #tpu.memory_space<vmem>>) semaphore(%arg7 : memref<!tpu.dma_semaphore, #tpu.memory_space<semaphore_mem>>)
    %dma_wait3A = arith.constant 0 : i32
    %dma_wait3A_14 = arith.constant 0 : i32
    %dma_wait3A_15 = arith.constant 0 : i32
    %dma_wait3A_16 = tpu.memref_slice %arg6[%dma_wait3A_14, %dma_wait3A_15] : memref<160x128xf32, #tpu.memory_space<vmem>> -> memref<80x128xf32, #tpu.memory_space<vmem>>
    %dma_wait3A_17 = arith.constant 0 : i32
    %dma_wait3A_18 = tpu.memref_slice %arg5[%dma_wait3A, %dma_wait3A_17] : memref<2x80xi32, #tpu.memory_space<vmem>> -> memref<1x80xi32, #tpu.memory_space<vmem>>
    %dma_wait3A_19 = tpu.memref_squeeze %dma_wait3A_18 : memref<1x80xi32, #tpu.memory_space<vmem>> -> memref<80xi32, #tpu.memory_space<vmem>>
    %dma_wait3A_20 = arith.constant 0 : i32
    %dma_wait3A_21 = arith.constant 0 : i32
    %dma_wait3A_22 = tpu.memref_slice %arg2[%dma_wait3A_20, %dma_wait3A_21] : memref<5008x128xf32, #tpu.memory_space<hbm>> -> memref<5008x128xf32, #tpu.memory_space<hbm>>
    tpu.wait_indirect_dma semaphore(%arg7 : memref<!tpu.dma_semaphore, #tpu.memory_space<semaphore_mem>>) src(%dma_wait3A_22 : memref<5008x128xf32, #tpu.memory_space<hbm>>) dst(%dma_wait3A_16 : memref<80x128xf32, #tpu.memory_space<vmem>>)
    %dma_start3A_23 = arith.constant 1 : i32
    %dma_start3A_24 = arith.constant 80 : i32
    %dma_start3A_25 = arith.constant 0 : i32
    %dma_start3A_26 = tpu.memref_slice %arg6[%dma_start3A_24, %dma_start3A_25] : memref<160x128xf32, #tpu.memory_space<vmem>> -> memref<80x128xf32, #tpu.memory_space<vmem>>
    %dma_start3A_27 = arith.constant 0 : i32
    %dma_start3A_28 = tpu.memref_slice %arg5[%dma_start3A_23, %dma_start3A_27] : memref<2x80xi32, #tpu.memory_space<vmem>> -> memref<1x80xi32, #tpu.memory_space<vmem>>
    %dma_start3A_29 = tpu.memref_squeeze %dma_start3A_28 : memref<1x80xi32, #tpu.memory_space<vmem>> -> memref<80xi32, #tpu.memory_space<vmem>>
    %dma_start3A_30 = arith.constant 0 : i32
    %dma_start3A_31 = arith.constant 0 : i32
    %dma_start3A_32 = tpu.memref_slice %arg2[%dma_start3A_30, %dma_start3A_31] : memref<5008x128xf32, #tpu.memory_space<hbm>> -> memref<5008x128xf32, #tpu.memory_space<hbm>>
    tpu.enqueue_indirect_dma source(%dma_start3A_32 : memref<5008x128xf32, #tpu.memory_space<hbm>>) target(%dma_start3A_26 : memref<80x128xf32, #tpu.memory_space<vmem>>) offsets(%dma_start3A_29 : memref<80xi32, #tpu.memory_space<vmem>>) semaphore(%arg7 : memref<!tpu.dma_semaphore, #tpu.memory_space<semaphore_mem>>)
    %dma_wait3A_33 = arith.constant 1 : i32
    %dma_wait3A_34 = arith.constant 80 : i32
    %dma_wait3A_35 = arith.constant 0 : i32
    %dma_wait3A_36 = tpu.memref_slice %arg6[%dma_wait3A_34, %dma_wait3A_35] : memref<160x128xf32, #tpu.memory_space<vmem>> -> memref<80x128xf32, #tpu.memory_space<vmem>>
    %dma_wait3A_37 = arith.constant 0 : i32
    %dma_wait3A_38 = tpu.memref_slice %arg5[%dma_wait3A_33, %dma_wait3A_37] : memref<2x80xi32, #tpu.memory_space<vmem>> -> memref<1x80xi32, #tpu.memory_space<vmem>>
    %dma_wait3A_39 = tpu.memref_squeeze %dma_wait3A_38 : memref<1x80xi32, #tpu.memory_space<vmem>> -> memref<80xi32, #tpu.memory_space<vmem>>
    %dma_wait3A_40 = arith.constant 0 : i32
    %dma_wait3A_41 = arith.constant 0 : i32
    %dma_wait3A_42 = tpu.memref_slice %arg2[%dma_wait3A_40, %dma_wait3A_41] : memref<5008x128xf32, #tpu.memory_space<hbm>> -> memref<5008x128xf32, #tpu.memory_space<hbm>>
    tpu.wait_indirect_dma semaphore(%arg7 : memref<!tpu.dma_semaphore, #tpu.memory_space<semaphore_mem>>) src(%dma_wait3A_42 : memref<5008x128xf32, #tpu.memory_space<hbm>>) dst(%dma_wait3A_36 : memref<80x128xf32, #tpu.memory_space<vmem>>)
    "tpu.region"() ({
      %run_scoped3A = tpu.sem_alloc : memref<!tpu.dma_semaphore, #tpu.memory_space<semaphore_mem>>
      %dma_start3A_43 = arith.constant 0 : i32
      %dma_start3A_44 = tpu.memref_slice %arg4[%mul3A_2, %dma_start3A_43] : memref<5120x128xf32, #tpu.memory_space<hbm>> -> memref<160x128xf32, #tpu.memory_space<hbm>>
      %dma_start3A_45 = arith.constant 0 : i32
      %dma_start3A_46 = tpu.memref_slice %arg4[%mul3A_2, %dma_start3A_45] : memref<5120x128xf32, #tpu.memory_space<hbm>> -> memref<160x128xf32, #tpu.memory_space<hbm>>
      tpu.enqueue_dma source(%arg6 : memref<160x128xf32, #tpu.memory_space<vmem>>) target(%dma_start3A_46 : memref<160x128xf32, #tpu.memory_space<hbm>>) target_semaphore(%run_scoped3A : memref<!tpu.dma_semaphore, #tpu.memory_space<semaphore_mem>>)
      %dma_wait3A_47 = arith.constant 0 : i32
      %dma_wait3A_48 = tpu.memref_slice %arg4[%mul3A_2, %dma_wait3A_47] : memref<5120x128xf32, #tpu.memory_space<hbm>> -> memref<160x128xf32, #tpu.memory_space<hbm>>
      %dma_wait3A_49 = arith.constant 0 : i32
      %dma_wait3A_50 = tpu.memref_slice %arg4[%mul3A_2, %dma_wait3A_49] : memref<5120x128xf32, #tpu.memory_space<hbm>> -> memref<160x128xf32, #tpu.memory_space<hbm>>
      tpu.wait_dma2 semaphore(%run_scoped3A : memref<!tpu.dma_semaphore, #tpu.memory_space<semaphore_mem>>) src(%arg6 : memref<160x128xf32, #tpu.memory_space<vmem>>) dst(%dma_wait3A_50 : memref<160x128xf32, #tpu.memory_space<hbm>>)
      tpu.yield
    }) : () -> ()
    return
  }
}

module attributes {stable_mosaic.version = 14 : i64} {
  func.func @_nms_body(%arg0: i32, %arg1: memref<5120x128xf32, #tpu.memory_space<vmem>>, %arg2: memref<1x5120xf32, #tpu.memory_space<vmem>>, %arg3: memref<8x5120xf32, #tpu.memory_space<vmem>>) attributes {dimension_semantics = [#tpu.dimension_semantics<arbitrary>], iteration_bounds = array<i64: 5>, scalar_prefetch = 0 : i64, scratch_operands = 1 : i64, tpu.core_type = #tpu.core_type<tc>, window_params = [{pipeline_mode = #tpu.pipeline_mode<synchronous>, transform_indices = @transform_0, window_bounds = array<i64: 5120, 128>}, {pipeline_mode = #tpu.pipeline_mode<synchronous>, transform_indices = @transform_1, window_bounds = array<i64: 1, 5120>}]} {
    %eq3A = arith.constant 0 : i32
    %eq3A_0 = arith.cmpi eq, %arg0, %eq3A : i32
    %convert_element_type3A = arith.extui %eq3A_0 : i1 to i32
    %cond3A = arith.constant 0 : i32
    %cond3A_1 = arith.cmpi ne, %convert_element_type3A, %cond3A : i32
    scf.if %cond3A_1 {
      %broadcast_in_dim3A_110 = arith.constant 1.000000e+00 : f32
      %broadcast_in_dim3A_111 = vector.broadcast %broadcast_in_dim3A_110 : f32 to vector<1x5120xf32>
      %swap3A_112 = arith.constant 0 : index
      %swap3A_113 = arith.constant 0 : index
      %swap3A_114 = vector.load %arg2[%swap3A_112, %swap3A_113] : memref<1x5120xf32, #tpu.memory_space<vmem>>, vector<1x5120xf32>
      tpu.vector_store %arg2[%swap3A_112, %swap3A_113], %broadcast_in_dim3A_111 {strides = array<i32>} : memref<1x5120xf32, #tpu.memory_space<vmem>>, vector<1x5120xf32>,
      %get3A_115 = arith.constant 0 : index
      %get3A_116 = arith.constant 0 : index
      %get3A_117 = vector.load %arg1[%get3A_115, %get3A_116] : memref<5120x128xf32, #tpu.memory_space<vmem>>, vector<5120x8xf32>
      %transpose3A = tpu.transpose %get3A_117, [1, 0] : vector<5120x8xf32> -> vector<8x5120xf32>
      %swap3A_118 = arith.constant 0 : index
      %swap3A_119 = arith.constant 0 : index
      %swap3A_120 = vector.load %arg3[%swap3A_118, %swap3A_119] : memref<8x5120xf32, #tpu.memory_space<vmem>>, vector<8x5120xf32>
      tpu.vector_store %arg3[%swap3A_118, %swap3A_119], %transpose3A {strides = array<i32>} : memref<8x5120xf32, #tpu.memory_space<vmem>>, vector<8x5120xf32>,
      %slice3A = vector.extract_strided_slice %transpose3A {offsets = [2, 0], sizes = [1, 5120], strides = [1, 1]} : vector<8x5120xf32> to vector<1x5120xf32>
      %slice3A_121 = vector.extract_strided_slice %transpose3A {offsets = [0, 0], sizes = [1, 5120], strides = [1, 1]} : vector<8x5120xf32> to vector<1x5120xf32>
      %sub3A_122 = arith.subf %slice3A, %slice3A_121 : vector<1x5120xf32>
      %slice3A_123 = vector.extract_strided_slice %transpose3A {offsets = [3, 0], sizes = [1, 5120], strides = [1, 1]} : vector<8x5120xf32> to vector<1x5120xf32>
      %slice3A_124 = vector.extract_strided_slice %transpose3A {offsets = [1, 0], sizes = [1, 5120], strides = [1, 1]} : vector<8x5120xf32> to vector<1x5120xf32>
      %sub3A_125 = arith.subf %slice3A_123, %slice3A_124 : vector<1x5120xf32>
      %mul3A_126 = arith.mulf %sub3A_122, %sub3A_125 : vector<1x5120xf32>
      %swap3A_127 = arith.constant 5 : index
      %swap3A_128 = arith.constant 0 : index
      %swap3A_129 = vector.load %arg3[%swap3A_127, %swap3A_128] : memref<8x5120xf32, #tpu.memory_space<vmem>>, vector<1x5120xf32>
      tpu.vector_store %arg3[%swap3A_127, %swap3A_128], %mul3A_126 {strides = array<i32>} : memref<8x5120xf32, #tpu.memory_space<vmem>>, vector<1x5120xf32>,
    } else {
    }
    %mul3A = arith.constant 1024 : i32
    %mul3A_2 = arith.muli %arg0, %mul3A : i32
    %multiple_of3A = tpu.assume_multiple %mul3A_2, 8 : i32
    %get3A = arith.index_cast %multiple_of3A : i32 to index
    %get3A_3 = arith.constant 0 : index
    %get3A_4 = vector.load %arg1[%get3A, %get3A_3] : memref<5120x128xf32, #tpu.memory_space<vmem>>, vector<1024x1xf32>
    %multiple_of3A_5 = tpu.assume_multiple %mul3A_2, 8 : i32
    %get3A_6 = arith.index_cast %multiple_of3A_5 : i32 to index
    %get3A_7 = arith.constant 1 : index
    %get3A_8 = vector.load %arg1[%get3A_6, %get3A_7] : memref<5120x128xf32, #tpu.memory_space<vmem>>, vector<1024x1xf32>
    %multiple_of3A_9 = tpu.assume_multiple %mul3A_2, 8 : i32
    %get3A_10 = arith.index_cast %multiple_of3A_9 : i32 to index
    %get3A_11 = arith.constant 2 : index
    %get3A_12 = vector.load %arg1[%get3A_10, %get3A_11] : memref<5120x128xf32, #tpu.memory_space<vmem>>, vector<1024x1xf32>
    %multiple_of3A_13 = tpu.assume_multiple %mul3A_2, 8 : i32
    %get3A_14 = arith.index_cast %multiple_of3A_13 : i32 to index
    %get3A_15 = arith.constant 3 : index
    %get3A_16 = vector.load %arg1[%get3A_14, %get3A_15] : memref<5120x128xf32, #tpu.memory_space<vmem>>, vector<1024x1xf32>
    %sub3A = arith.subf %get3A_12, %get3A_4 : vector<1024x1xf32>
    %sub3A_17 = arith.subf %get3A_16, %get3A_8 : vector<1024x1xf32>
    %mul3A_18 = arith.mulf %sub3A, %sub3A_17 : vector<1024x1xf32>
    %multiple_of3A_19 = tpu.assume_multiple %mul3A_2, 128 : i32
    %get3A_20 = arith.constant 0 : index
    %get3A_21 = arith.index_cast %multiple_of3A_19 : i32 to index
    %get3A_22 = vector.load %arg3[%get3A_20, %get3A_21] : memref<8x5120xf32, #tpu.memory_space<vmem>>, vector<1x1024xf32>
    %multiple_of3A_23 = tpu.assume_multiple %mul3A_2, 128 : i32
    %get3A_24 = arith.constant 1 : index
    %get3A_25 = arith.index_cast %multiple_of3A_23 : i32 to index
    %get3A_26 = vector.load %arg3[%get3A_24, %get3A_25] : memref<8x5120xf32, #tpu.memory_space<vmem>>, vector<1x1024xf32>
    %multiple_of3A_27 = tpu.assume_multiple %mul3A_2, 128 : i32
    %get3A_28 = arith.constant 2 : index
    %get3A_29 = arith.index_cast %multiple_of3A_27 : i32 to index
    %get3A_30 = vector.load %arg3[%get3A_28, %get3A_29] : memref<8x5120xf32, #tpu.memory_space<vmem>>, vector<1x1024xf32>
    %multiple_of3A_31 = tpu.assume_multiple %mul3A_2, 128 : i32
    %get3A_32 = arith.constant 3 : index
    %get3A_33 = arith.index_cast %multiple_of3A_31 : i32 to index
    %get3A_34 = vector.load %arg3[%get3A_32, %get3A_33] : memref<8x5120xf32, #tpu.memory_space<vmem>>, vector<1x1024xf32>
    %multiple_of3A_35 = tpu.assume_multiple %mul3A_2, 128 : i32
    %get3A_36 = arith.constant 5 : index
    %get3A_37 = arith.index_cast %multiple_of3A_35 : i32 to index
    %get3A_38 = vector.load %arg3[%get3A_36, %get3A_37] : memref<8x5120xf32, #tpu.memory_space<vmem>>, vector<1x1024xf32>
    %max3A = vector.broadcast %get3A_4 : vector<1024x1xf32> to vector<1024x1024xf32>
    %max3A_39 = vector.broadcast %get3A_22 : vector<1x1024xf32> to vector<1024x1024xf32>
    %max3A_40 = arith.maximumf %max3A, %max3A_39 : vector<1024x1024xf32>
    %max3A_41 = vector.broadcast %get3A_8 : vector<1024x1xf32> to vector<1024x1024xf32>
    %max3A_42 = vector.broadcast %get3A_26 : vector<1x1024xf32> to vector<1024x1024xf32>
    %max3A_43 = arith.maximumf %max3A_41, %max3A_42 : vector<1024x1024xf32>
    %min3A = vector.broadcast %get3A_12 : vector<1024x1xf32> to vector<1024x1024xf32>
    %min3A_44 = vector.broadcast %get3A_30 : vector<1x1024xf32> to vector<1024x1024xf32>
    %min3A_45 = arith.minimumf %min3A, %min3A_44 : vector<1024x1024xf32>
    %min3A_46 = vector.broadcast %get3A_16 : vector<1024x1xf32> to vector<1024x1024xf32>
    %min3A_47 = vector.broadcast %get3A_34 : vector<1x1024xf32> to vector<1024x1024xf32>
    %min3A_48 = arith.minimumf %min3A_46, %min3A_47 : vector<1024x1024xf32>
    %sub3A_49 = arith.subf %min3A_45, %max3A_40 : vector<1024x1024xf32>
    %max3A_50 = arith.constant 0.000000e+00 : f32
    %max3A_51 = vector.broadcast %max3A_50 : f32 to vector<1024x1024xf32>
    %max3A_52 = arith.maximumf %sub3A_49, %max3A_51 : vector<1024x1024xf32>
    %sub3A_53 = arith.subf %min3A_48, %max3A_43 : vector<1024x1024xf32>
    %mul3A_54 = arith.constant 3.000000e+00 : f32
    %mul3A_55 = vector.broadcast %mul3A_54 : f32 to vector<1024x1024xf32>
    %mul3A_56 = arith.mulf %mul3A_55, %max3A_52 : vector<1024x1024xf32>
    %mul3A_57 = arith.mulf %mul3A_56, %sub3A_53 : vector<1024x1024xf32>
    %add3A = vector.broadcast %mul3A_18 : vector<1024x1xf32> to vector<1024x1024xf32>
    %add3A_58 = vector.broadcast %get3A_38 : vector<1x1024xf32> to vector<1024x1024xf32>
    %add3A_59 = arith.addf %add3A, %add3A_58 : vector<1024x1024xf32>
    %gt3A = arith.cmpf ogt, %mul3A_57, %add3A_59 : vector<1024x1024xf32>
    %convert_element_type3A_60 = arith.extui %gt3A : vector<1024x1024xi1> to vector<1024x1024xi32>
    %convert_element_type3A_61 = arith.sitofp %convert_element_type3A_60 : vector<1024x1024xi32> to vector<1024x1024xf32>
    %convert_element_type3A_62 = arith.truncf %convert_element_type3A_61 : vector<1024x1024xf32> to vector<1024x1024xbf16>
    %iota3A = tpu.iota {dimensions = array<i32: 0>} : vector<1024x1024xi32>
    %iota3A_63 = tpu.iota {dimensions = array<i32: 1>} : vector<1024x1024xi32>
    %lt3A = arith.cmpi slt, %iota3A, %iota3A_63 : vector<1024x1024xi32>
    %jit3A = arith.constant 0.000000e+00 : bf16
    %broadcast_in_dim3A = vector.broadcast %jit3A : bf16 to vector<1024x1024xbf16>
    %select_n3A = arith.select %lt3A, %convert_element_type3A_62, %broadcast_in_dim3A : vector<1024x1024xi1>, vector<1024x1024xbf16>
    %multiple_of3A_64 = tpu.assume_multiple %mul3A_2, 128 : i32
    %get3A_65 = arith.constant 0 : index
    %get3A_66 = arith.index_cast %multiple_of3A_64 : i32 to index
    %get3A_67 = vector.load %arg2[%get3A_65, %get3A_66] : memref<1x5120xf32, #tpu.memory_space<vmem>>, vector<1x1024xf32>
    %while3A = arith.constant false
    %while3A_68:2 = scf.while (%while3A_110 = %get3A_67, %while3A_111 = %while3A) : (vector<1x1024xf32>, i1) -> (vector<1x1024xf32>, i1) {
      %not3A = arith.constant true
      %not3A_112 = arith.xori %while3A_111, %not3A : i1
      scf.condition(%not3A_112) %while3A_110, %while3A_111 : vector<1x1024xf32>, i1
    } do {
    ^bb0(%while3A_110: vector<1x1024xf32>, %while3A_111: i1):
      %convert_element_type3A_112 = arith.truncf %while3A_110 : vector<1x1024xf32> to vector<1x1024xbf16>
      %dot_general3A = arith.constant dense<0.000000e+00> : vector<1x1024xf32>
      %dot_general3A_113 = tpu.matmul %convert_element_type3A_112, %select_n3A, %dot_general3A {dimension_numbers = #tpu.dot_dimension_numbers<[1], [0], [0], [1], [0, 0, 1, 1], [], []>, transpose_lhs_hint = false} : vector<1x1024xbf16>, vector<1024x1024xbf16>, vector<1x1024xf32> -> vector<1x1024xf32>
      %gt3A_114 = arith.constant 0.000000e+00 : f32
      %gt3A_115 = vector.broadcast %gt3A_114 : f32 to vector<1x1024xf32>
      %gt3A_116 = arith.cmpf ogt, %dot_general3A_113, %gt3A_115 : vector<1x1024xf32>
      %jit3A_117 = arith.constant 0.000000e+00 : f32
      %broadcast_in_dim3A_118 = vector.broadcast %jit3A_117 : f32 to vector<1x1024xf32>
      %select_n3A_119 = arith.select %gt3A_116, %broadcast_in_dim3A_118, %get3A_67 : vector<1x1024xi1>, vector<1x1024xf32>
      %eq3A_120 = arith.cmpf oeq, %select_n3A_119, %while3A_110 : vector<1x1024xf32>
      %reduce_and3A = arith.constant 1.000000e+00 : f32
      %reduce_and3A_121 = arith.constant 0.000000e+00 : f32
      %reduce_and3A_122 = vector.broadcast %reduce_and3A : f32 to vector<1x1024xf32>
      %reduce_and3A_123 = vector.broadcast %reduce_and3A_121 : f32 to vector<1x1024xf32>
      %reduce_and3A_124 = arith.select %eq3A_120, %reduce_and3A_122, %reduce_and3A_123 : vector<1x1024xi1>, vector<1x1024xf32>
      %reduce_and3A_125 = vector.shape_cast %reduce_and3A_124 : vector<1x1024xf32> to vector<1x1x1024xf32>
      %reduce_and3A_126 = arith.constant dense<0x7F800000> : vector<1xf32>
      %reduce_and3A_127 = vector.multi_reduction <minimumf>, %reduce_and3A_125, %reduce_and3A_126 [1, 2] : vector<1x1x1024xf32> to vector<1xf32>
      %reduce_and3A_128 = vector.shape_cast %reduce_and3A_127 : vector<1xf32> to vector<1x1x1xf32>
      %reduce_and3A_129 = vector.extract %reduce_and3A_128[0, 0, 0] : f32 from vector<1x1x1xf32>
      %reduce_and3A_130 = arith.constant 0.000000e+00 : f32
      %reduce_and3A_131 = arith.cmpf ogt, %reduce_and3A_129, %reduce_and3A_130 : f32
      scf.yield %select_n3A_119, %reduce_and3A_131 : vector<1x1024xf32>, i1
    }
    %multiple_of3A_69 = tpu.assume_multiple %mul3A_2, 128 : i32
    %swap3A = arith.constant 0 : index
    %swap3A_70 = arith.index_cast %multiple_of3A_69 : i32 to index
    %swap3A_71 = vector.load %arg2[%swap3A, %swap3A_70] : memref<1x5120xf32, #tpu.memory_space<vmem>>, vector<1x1024xf32>
    tpu.vector_store %arg2[%swap3A, %swap3A_70], %while3A_68#0 {strides = array<i32>} : memref<1x5120xf32, #tpu.memory_space<vmem>>, vector<1x1024xf32>,
    %add3A_72 = arith.constant 1024 : i32
    %add3A_73 = arith.addi %mul3A_2, %add3A_72 : i32
    %convert_element_type3A_74 = arith.truncf %while3A_68#0 : vector<1x1024xf32> to vector<1x1024xbf16>
    %add3A_75 = arith.constant 1 : i32
    %add3A_76 = arith.addi %arg0, %add3A_75 : i32
    %mul3A_77 = arith.constant 1024 : i32
    %mul3A_78 = arith.muli %add3A_76, %mul3A_77 : i32
    %jit3A_79 = arith.constant 1024 : i32
    %div3A = arith.divsi %mul3A_78, %jit3A_79 : i32
    %sign3A = arith.constant 0 : i32
    %sign3A_80 = arith.cmpi sgt, %mul3A_78, %sign3A : i32
    %sign3A_81 = arith.extui %sign3A_80 : i1 to i32
    %sign3A_82 = arith.constant 0 : i32
    %sign3A_83 = arith.cmpi slt, %mul3A_78, %sign3A_82 : i32
    %sign3A_84 = arith.extui %sign3A_83 : i1 to i32
    %sign3A_85 = arith.subi %sign3A_81, %sign3A_84 : i32
    %sign3A_86 = arith.constant 0 : i32
    %sign3A_87 = arith.cmpi sgt, %jit3A_79, %sign3A_86 : i32
    %sign3A_88 = arith.extui %sign3A_87 : i1 to i32
    %sign3A_89 = arith.constant 0 : i32
    %sign3A_90 = arith.cmpi slt, %jit3A_79, %sign3A_89 : i32
    %sign3A_91 = arith.extui %sign3A_90 : i1 to i32
    %sign3A_92 = arith.subi %sign3A_88, %sign3A_91 : i32
    %ne3A = arith.cmpi ne, %sign3A_85, %sign3A_92 : i32
    %rem3A = arith.remsi %mul3A_78, %jit3A_79 : i32
    %ne3A_93 = arith.constant 0 : i32
    %ne3A_94 = arith.cmpi ne, %rem3A, %ne3A_93 : i32
    %and3A = arith.andi %ne3A, %ne3A_94 : i1
    %sub3A_95 = arith.constant 1 : i32
    %sub3A_96 = arith.subi %div3A, %sub3A_95 : i32
    %select_n3A_97 = arith.select %and3A, %sub3A_96, %div3A : i32
    %while3A_98 = arith.constant 5 : i32
    %while3A_99 = arith.constant 0 : i32
    %while3A_100 = arith.subi %while3A_98, %select_n3A_97 : i32
    %while3A_101 = arith.addi %select_n3A_97, %while3A_100 : i32
    %while3A_102 = arith.constant 1 : i32
    %while3A_103 = arith.divsi %while3A_100, %while3A_102 : i32
    %while3A_104 = arith.muli %while3A_103, %while3A_102 : i32
    %while3A_105 = arith.addi %select_n3A_97, %while3A_104 : i32
    %while3A_106 = arith.constant 1 : i32
    %while3A_107 = scf.for %while3A_110 = %select_n3A_97 to %while3A_105 step %while3A_106 iter_args(%while3A_111 = %while3A_99) -> (i32)  : i32 {
      %mul3A_112 = arith.constant 1024 : i32
      %mul3A_113 = arith.muli %while3A_110, %mul3A_112 : i32
      %multiple_of3A_114 = tpu.assume_multiple %mul3A_113, 128 : i32
      %get3A_115 = arith.constant 0 : index
      %get3A_116 = arith.index_cast %multiple_of3A_114 : i32 to index
      %get3A_117 = vector.load %arg3[%get3A_115, %get3A_116] : memref<8x5120xf32, #tpu.memory_space<vmem>>, vector<1x1024xf32>
      %multiple_of3A_118 = tpu.assume_multiple %mul3A_113, 128 : i32
      %get3A_119 = arith.constant 1 : index
      %get3A_120 = arith.index_cast %multiple_of3A_118 : i32 to index
      %get3A_121 = vector.load %arg3[%get3A_119, %get3A_120] : memref<8x5120xf32, #tpu.memory_space<vmem>>, vector<1x1024xf32>
      %multiple_of3A_122 = tpu.assume_multiple %mul3A_113, 128 : i32
      %get3A_123 = arith.constant 2 : index
      %get3A_124 = arith.index_cast %multiple_of3A_122 : i32 to index
      %get3A_125 = vector.load %arg3[%get3A_123, %get3A_124] : memref<8x5120xf32, #tpu.memory_space<vmem>>, vector<1x1024xf32>
      %multiple_of3A_126 = tpu.assume_multiple %mul3A_113, 128 : i32
      %get3A_127 = arith.constant 3 : index
      %get3A_128 = arith.index_cast %multiple_of3A_126 : i32 to index
      %get3A_129 = vector.load %arg3[%get3A_127, %get3A_128] : memref<8x5120xf32, #tpu.memory_space<vmem>>, vector<1x1024xf32>
      %multiple_of3A_130 = tpu.assume_multiple %mul3A_113, 128 : i32
      %get3A_131 = arith.constant 5 : index
      %get3A_132 = arith.index_cast %multiple_of3A_130 : i32 to index
      %get3A_133 = vector.load %arg3[%get3A_131, %get3A_132] : memref<8x5120xf32, #tpu.memory_space<vmem>>, vector<1x1024xf32>
      %max3A_134 = vector.broadcast %get3A_4 : vector<1024x1xf32> to vector<1024x1024xf32>
      %max3A_135 = vector.broadcast %get3A_117 : vector<1x1024xf32> to vector<1024x1024xf32>
      %max3A_136 = arith.maximumf %max3A_134, %max3A_135 : vector<1024x1024xf32>
      %max3A_137 = vector.broadcast %get3A_8 : vector<1024x1xf32> to vector<1024x1024xf32>
      %max3A_138 = vector.broadcast %get3A_121 : vector<1x1024xf32> to vector<1024x1024xf32>
      %max3A_139 = arith.maximumf %max3A_137, %max3A_138 : vector<1024x1024xf32>
      %min3A_140 = vector.broadcast %get3A_12 : vector<1024x1xf32> to vector<1024x1024xf32>
      %min3A_141 = vector.broadcast %get3A_125 : vector<1x1024xf32> to vector<1024x1024xf32>
      %min3A_142 = arith.minimumf %min3A_140, %min3A_141 : vector<1024x1024xf32>
      %min3A_143 = vector.broadcast %get3A_16 : vector<1024x1xf32> to vector<1024x1024xf32>
      %min3A_144 = vector.broadcast %get3A_129 : vector<1x1024xf32> to vector<1024x1024xf32>
      %min3A_145 = arith.minimumf %min3A_143, %min3A_144 : vector<1024x1024xf32>
      %sub3A_146 = arith.subf %min3A_142, %max3A_136 : vector<1024x1024xf32>
      %max3A_147 = arith.constant 0.000000e+00 : f32
      %max3A_148 = vector.broadcast %max3A_147 : f32 to vector<1024x1024xf32>
      %max3A_149 = arith.maximumf %sub3A_146, %max3A_148 : vector<1024x1024xf32>
      %sub3A_150 = arith.subf %min3A_145, %max3A_139 : vector<1024x1024xf32>
      %mul3A_151 = arith.constant 3.000000e+00 : f32
      %mul3A_152 = vector.broadcast %mul3A_151 : f32 to vector<1024x1024xf32>
      %mul3A_153 = arith.mulf %mul3A_152, %max3A_149 : vector<1024x1024xf32>
      %mul3A_154 = arith.mulf %mul3A_153, %sub3A_150 : vector<1024x1024xf32>
      %add3A_155 = vector.broadcast %mul3A_18 : vector<1024x1xf32> to vector<1024x1024xf32>
      %add3A_156 = vector.broadcast %get3A_133 : vector<1x1024xf32> to vector<1024x1024xf32>
      %add3A_157 = arith.addf %add3A_155, %add3A_156 : vector<1024x1024xf32>
      %gt3A_158 = arith.cmpf ogt, %mul3A_154, %add3A_157 : vector<1024x1024xf32>
      %convert_element_type3A_159 = arith.extui %gt3A_158 : vector<1024x1024xi1> to vector<1024x1024xi32>
      %convert_element_type3A_160 = arith.sitofp %convert_element_type3A_159 : vector<1024x1024xi32> to vector<1024x1024xf32>
      %convert_element_type3A_161 = arith.truncf %convert_element_type3A_160 : vector<1024x1024xf32> to vector<1024x1024xbf16>
      %dot_general3A = arith.constant dense<0.000000e+00> : vector<1x1024xf32>
      %dot_general3A_162 = tpu.matmul %convert_element_type3A_74, %convert_element_type3A_161, %dot_general3A {dimension_numbers = #tpu.dot_dimension_numbers<[1], [0], [0], [1], [0, 0, 1, 1], [], []>, transpose_lhs_hint = false} : vector<1x1024xbf16>, vector<1024x1024xbf16>, vector<1x1024xf32> -> vector<1x1024xf32>
      %iota3A_163 = tpu.iota {dimensions = array<i32: 1>} : vector<1x1024xi32>
      %add3A_164 = vector.broadcast %mul3A_113 : i32 to vector<1x1024xi32>
      %add3A_165 = arith.addi %add3A_164, %iota3A_163 : vector<1x1024xi32>
      %multiple_of3A_166 = tpu.assume_multiple %mul3A_113, 128 : i32
      %get3A_167 = arith.constant 0 : index
      %get3A_168 = arith.index_cast %multiple_of3A_166 : i32 to index
      %get3A_169 = vector.load %arg2[%get3A_167, %get3A_168] : memref<1x5120xf32, #tpu.memory_space<vmem>>, vector<1x1024xf32>
      %gt3A_170 = arith.constant 0.000000e+00 : f32
      %gt3A_171 = vector.broadcast %gt3A_170 : f32 to vector<1x1024xf32>
      %gt3A_172 = arith.cmpf ogt, %dot_general3A_162, %gt3A_171 : vector<1x1024xf32>
      %ge3A = vector.broadcast %add3A_73 : i32 to vector<1x1024xi32>
      %ge3A_173 = arith.cmpi sge, %add3A_165, %ge3A : vector<1x1024xi32>
      %and3A_174 = arith.andi %gt3A_172, %ge3A_173 : vector<1x1024xi1>
      %jit3A_175 = arith.constant 0.000000e+00 : f32
      %broadcast_in_dim3A_176 = vector.broadcast %jit3A_175 : f32 to vector<1x1024xf32>
      %select_n3A_177 = arith.select %and3A_174, %broadcast_in_dim3A_176, %get3A_169 : vector<1x1024xi1>, vector<1x1024xf32>
      %multiple_of3A_178 = tpu.assume_multiple %mul3A_113, 128 : i32
      %swap3A_179 = arith.constant 0 : index
      %swap3A_180 = arith.index_cast %multiple_of3A_178 : i32 to index
      %swap3A_181 = vector.load %arg2[%swap3A_179, %swap3A_180] : memref<1x5120xf32, #tpu.memory_space<vmem>>, vector<1x1024xf32>
      tpu.vector_store %arg2[%swap3A_179, %swap3A_180], %select_n3A_177 {strides = array<i32>} : memref<1x5120xf32, #tpu.memory_space<vmem>>, vector<1x1024xf32>,
      %while3A_182 = arith.constant 0 : i32
      scf.yield %while3A_182 : i32
    }
    %while3A_108 = arith.constant 1 : i32
    %while3A_109 = scf.for %while3A_110 = %while3A_105 to %while3A_101 step %while3A_108 iter_args(%while3A_111 = %while3A_107) -> (i32)  : i32 {
      %mul3A_112 = arith.constant 1024 : i32
      %mul3A_113 = arith.muli %while3A_110, %mul3A_112 : i32
      %multiple_of3A_114 = tpu.assume_multiple %mul3A_113, 128 : i32
      %get3A_115 = arith.constant 0 : index
      %get3A_116 = arith.index_cast %multiple_of3A_114 : i32 to index
      %get3A_117 = vector.load %arg3[%get3A_115, %get3A_116] : memref<8x5120xf32, #tpu.memory_space<vmem>>, vector<1x1024xf32>
      %multiple_of3A_118 = tpu.assume_multiple %mul3A_113, 128 : i32
      %get3A_119 = arith.constant 1 : index
      %get3A_120 = arith.index_cast %multiple_of3A_118 : i32 to index
      %get3A_121 = vector.load %arg3[%get3A_119, %get3A_120] : memref<8x5120xf32, #tpu.memory_space<vmem>>, vector<1x1024xf32>
      %multiple_of3A_122 = tpu.assume_multiple %mul3A_113, 128 : i32
      %get3A_123 = arith.constant 2 : index
      %get3A_124 = arith.index_cast %multiple_of3A_122 : i32 to index
      %get3A_125 = vector.load %arg3[%get3A_123, %get3A_124] : memref<8x5120xf32, #tpu.memory_space<vmem>>, vector<1x1024xf32>
      %multiple_of3A_126 = tpu.assume_multiple %mul3A_113, 128 : i32
      %get3A_127 = arith.constant 3 : index
      %get3A_128 = arith.index_cast %multiple_of3A_126 : i32 to index
      %get3A_129 = vector.load %arg3[%get3A_127, %get3A_128] : memref<8x5120xf32, #tpu.memory_space<vmem>>, vector<1x1024xf32>
      %multiple_of3A_130 = tpu.assume_multiple %mul3A_113, 128 : i32
      %get3A_131 = arith.constant 5 : index
      %get3A_132 = arith.index_cast %multiple_of3A_130 : i32 to index
      %get3A_133 = vector.load %arg3[%get3A_131, %get3A_132] : memref<8x5120xf32, #tpu.memory_space<vmem>>, vector<1x1024xf32>
      %max3A_134 = vector.broadcast %get3A_4 : vector<1024x1xf32> to vector<1024x1024xf32>
      %max3A_135 = vector.broadcast %get3A_117 : vector<1x1024xf32> to vector<1024x1024xf32>
      %max3A_136 = arith.maximumf %max3A_134, %max3A_135 : vector<1024x1024xf32>
      %max3A_137 = vector.broadcast %get3A_8 : vector<1024x1xf32> to vector<1024x1024xf32>
      %max3A_138 = vector.broadcast %get3A_121 : vector<1x1024xf32> to vector<1024x1024xf32>
      %max3A_139 = arith.maximumf %max3A_137, %max3A_138 : vector<1024x1024xf32>
      %min3A_140 = vector.broadcast %get3A_12 : vector<1024x1xf32> to vector<1024x1024xf32>
      %min3A_141 = vector.broadcast %get3A_125 : vector<1x1024xf32> to vector<1024x1024xf32>
      %min3A_142 = arith.minimumf %min3A_140, %min3A_141 : vector<1024x1024xf32>
      %min3A_143 = vector.broadcast %get3A_16 : vector<1024x1xf32> to vector<1024x1024xf32>
      %min3A_144 = vector.broadcast %get3A_129 : vector<1x1024xf32> to vector<1024x1024xf32>
      %min3A_145 = arith.minimumf %min3A_143, %min3A_144 : vector<1024x1024xf32>
      %sub3A_146 = arith.subf %min3A_142, %max3A_136 : vector<1024x1024xf32>
      %max3A_147 = arith.constant 0.000000e+00 : f32
      %max3A_148 = vector.broadcast %max3A_147 : f32 to vector<1024x1024xf32>
      %max3A_149 = arith.maximumf %sub3A_146, %max3A_148 : vector<1024x1024xf32>
      %sub3A_150 = arith.subf %min3A_145, %max3A_139 : vector<1024x1024xf32>
      %mul3A_151 = arith.constant 3.000000e+00 : f32
      %mul3A_152 = vector.broadcast %mul3A_151 : f32 to vector<1024x1024xf32>
      %mul3A_153 = arith.mulf %mul3A_152, %max3A_149 : vector<1024x1024xf32>
      %mul3A_154 = arith.mulf %mul3A_153, %sub3A_150 : vector<1024x1024xf32>
      %add3A_155 = vector.broadcast %mul3A_18 : vector<1024x1xf32> to vector<1024x1024xf32>
      %add3A_156 = vector.broadcast %get3A_133 : vector<1x1024xf32> to vector<1024x1024xf32>
      %add3A_157 = arith.addf %add3A_155, %add3A_156 : vector<1024x1024xf32>
      %gt3A_158 = arith.cmpf ogt, %mul3A_154, %add3A_157 : vector<1024x1024xf32>
      %convert_element_type3A_159 = arith.extui %gt3A_158 : vector<1024x1024xi1> to vector<1024x1024xi32>
      %convert_element_type3A_160 = arith.sitofp %convert_element_type3A_159 : vector<1024x1024xi32> to vector<1024x1024xf32>
      %convert_element_type3A_161 = arith.truncf %convert_element_type3A_160 : vector<1024x1024xf32> to vector<1024x1024xbf16>
      %dot_general3A = arith.constant dense<0.000000e+00> : vector<1x1024xf32>
      %dot_general3A_162 = tpu.matmul %convert_element_type3A_74, %convert_element_type3A_161, %dot_general3A {dimension_numbers = #tpu.dot_dimension_numbers<[1], [0], [0], [1], [0, 0, 1, 1], [], []>, transpose_lhs_hint = false} : vector<1x1024xbf16>, vector<1024x1024xbf16>, vector<1x1024xf32> -> vector<1x1024xf32>
      %iota3A_163 = tpu.iota {dimensions = array<i32: 1>} : vector<1x1024xi32>
      %add3A_164 = vector.broadcast %mul3A_113 : i32 to vector<1x1024xi32>
      %add3A_165 = arith.addi %add3A_164, %iota3A_163 : vector<1x1024xi32>
      %multiple_of3A_166 = tpu.assume_multiple %mul3A_113, 128 : i32
      %get3A_167 = arith.constant 0 : index
      %get3A_168 = arith.index_cast %multiple_of3A_166 : i32 to index
      %get3A_169 = vector.load %arg2[%get3A_167, %get3A_168] : memref<1x5120xf32, #tpu.memory_space<vmem>>, vector<1x1024xf32>
      %gt3A_170 = arith.constant 0.000000e+00 : f32
      %gt3A_171 = vector.broadcast %gt3A_170 : f32 to vector<1x1024xf32>
      %gt3A_172 = arith.cmpf ogt, %dot_general3A_162, %gt3A_171 : vector<1x1024xf32>
      %ge3A = vector.broadcast %add3A_73 : i32 to vector<1x1024xi32>
      %ge3A_173 = arith.cmpi sge, %add3A_165, %ge3A : vector<1x1024xi32>
      %and3A_174 = arith.andi %gt3A_172, %ge3A_173 : vector<1x1024xi1>
      %jit3A_175 = arith.constant 0.000000e+00 : f32
      %broadcast_in_dim3A_176 = vector.broadcast %jit3A_175 : f32 to vector<1x1024xf32>
      %select_n3A_177 = arith.select %and3A_174, %broadcast_in_dim3A_176, %get3A_169 : vector<1x1024xi1>, vector<1x1024xf32>
      %multiple_of3A_178 = tpu.assume_multiple %mul3A_113, 128 : i32
      %swap3A_179 = arith.constant 0 : index
      %swap3A_180 = arith.index_cast %multiple_of3A_178 : i32 to index
      %swap3A_181 = vector.load %arg2[%swap3A_179, %swap3A_180] : memref<1x5120xf32, #tpu.memory_space<vmem>>, vector<1x1024xf32>
      tpu.vector_store %arg2[%swap3A_179, %swap3A_180], %select_n3A_177 {strides = array<i32>} : memref<1x5120xf32, #tpu.memory_space<vmem>>, vector<1x1024xf32>,
      %while3A_182 = arith.constant 0 : i32
      scf.yield %while3A_182 : i32
    }
    return
  }
  func.func @transform_0(%arg0: i32) -> (i32, i32) {
    %c0_i32 = arith.constant 0 : i32
    %c0_i32_0 = arith.constant 0 : i32
    %c0_i32_1 = arith.constant 0 : i32
    return %c0_i32, %c0_i32_0 : i32, i32
  }
  func.func @transform_1(%arg0: i32) -> (i32, i32) {
    %c0_i32 = arith.constant 0 : i32
    %c0_i32_0 = arith.constant 0 : i32
    %c0_i32_1 = arith.constant 0 : i32
    return %c0_i32, %c0_i32_0 : i32, i32
  }
}

</mosaic_0001>

<sc_bundles>
// kernel: kernel.4.cloned.1.call-start
scs
__scs_entry_jumppad:
0x0: {  	(pc) =	sbr.rel $0x88, $3  }
0x1: {  	(tag) =	ssettag $0x0;
	lr =	simm.s32 $0x1  }
0x2: {  	[smem:$0x3F9F] =	sst lr;
	_ =	strace $0xD0000000  }
0x3: {  	_ = 	snop  }
0x4: {  	_ = 	snop  }
0x5: {  	_ = 	snop  }
0x6: {  	_ = 	snop  }
0x7: {  	_ = 	snop  }
__scs_overlays_trampoline_lowered:
0x8: {  	[smem:$0x3FAE] =	sst s0  }
0x9: {  	[smem:$0x3FAF] =	sst s1  }
0xa: {  	[smem:$0x3FB0] =	sst s2  }
0xb: {  	[smem:$0x3FB1] =	sst s3  }
0xc: {  	[smem:$0x3FB2] =	sst s4  }
0xd: {  	[smem:$0x3FB3] =	sst s5  }
0xe: {  	[smem:$0x3FB4] =	sst s6  }
0xf: {  	[smem:$0x3FB5] =	sst s7  }
0x10: {  	[smem:$0x3FB6] =	sst s8  }
0x11: {  	[smem:$0x3FB7] =	sst s9;
	s0 =	simm.s32 @!p0 $0x0  }
0x12: {  	s1 =	sld [smem:$0x3F9D];
	s0 =	simm.s32 @p0 $0x1  }
0x13: {  	[smem:$0x3FB8] =	sst s0;
	s0 =	simm.s32 @!p1 $0x0  }
0x14: {  	s2 =	sld [smem:$0x3F9C];
	s0 =	simm.s32 @p1 $0x1  }
0x15: {  	[smem:$0x3FB9] =	sst s0;
	s0 =	simm.s32 @!p2 $0x0  }
0x16: {  	s3 =	sld [smem:$0x3FDB];
	s0 =	simm.s32 @p2 $0x1  }
0x17: {  	s4 =	simm.s32 $0x1BF5;
	[smem:$0x3FBB] =	sst s0  }
0x18: {  	s0 =	sld [smem:$0x3F9E];
	_ =	swait.ge [sflag:s4], $0x0  }
0x19: {  	s7 =	sld [smem:$0x3F9F]  }
0x1a: {  	s8 =	sadd.s32 $0xFFFFE003, lr  }
0x1b: {  	s9 =	sadd.s32 $0xFFFFFEF7, lr;
	s5 =	simm.s32 $0xFFFFFFFF;
	p2 =	slt.u32 s8, $0xFFFFF086  }
0x1c: {  	p1 =	slt.u32 s9, $0xF7A;
	s5 =	simm.s32 @!p2 $0x0  }
0x1d: {  	s5 =	simm.s32 @p1 $0x1;
	p0 =	seq.s32 s7, s2  }
0x1e: {  	s7 =	smul.u32 @!p0 $0xF7A, s2;
	p2 =	seq.s32 @!p0 s5, $0x0  }
0x1f: {  	s9 =	smul.u32 $0xF7A, s1;
	s8 =	simm.s32 @!p0 $0x1BF5;
	p2 =	por !p2, p0  }
0x20: {  	[sflag:s8] =	ssyncset.s32 @!p0 $0xFFFFF086;
	s6 =	sadd.s32 @!p0 s3, s7;
	s7 =	simm.s32 @!p0 $0x108  }
0x21: {  	s3 =	sadd.s32 s3, s9;
	s6 =	sadd.s32 @!p0 $0x88, s6;
	s7 =	simm.s32 @p2 $0x1082  }
0x22: {  	[simem:s7], [sflag:s8] =	dma.local @!p0 [hbm:s6], $0xF7A  }
0x23: {  	s9 =	sor.u32 $0xD0000000, s2;
	s6 =	simm.s32 $0x108;
	_ =	swait.ge @!p0 [sflag:s8], $0x0  }
0x24: {  	s3 =	sadd.s32 $0x88, s3;
	s6 =	simm.s32 @!p1 $0x1082;
	[sflag:s4] =	ssyncset.s32 $0xFFFFF086  }
0x25: {  	[simem:s6], [sflag:s4] =	dma.local [hbm:s3], $0xF7A  }
0x26: {  	[smem:$0x3F9F] =	sst s1;
	(tag) =	ssettag s2;
	_ =	strace s9  }
0x27: {  	s1 =	sld [smem:$0x3FAF]  }
0x28: {  	s2 =	sld [smem:$0x3FB0]  }
0x29: {  	s4 =	sld [smem:$0x3FB2]  }
0x2a: {  	p0 =	seq.s32 s5, $0x0;
	s5 =	sld [smem:$0x3FB3]  }
0x2b: {  	s6 =	sld [smem:$0x3FB4]  }
0x2c: {  	s7 =	sld [smem:$0x3FB5]  }
0x2d: {  	s3 =	simm.s32 $0x108;
	s8 =	sld [smem:$0x3FB6]  }
0x2e: {  	s3 =	simm.s32 @!p0 $0x1082;
	s9 =	sld [smem:$0x3FB7]  }
0x2f: {  	lr =	sadd.s32 s0, s3;
	s0 =	sld [smem:$0x3FAE]  }
0x30: {  	s3 =	sld [smem:$0x3FB1]  }
0x31: {  	[smem:$0x3FBA] =	sst s10  }
0x32: {  	s10 =	sld [smem:$0x3FB8];
	_ =	sdelay $0x3  }
0x33: {  	p0 =	seq.s32 s10, $0x1;
	s10 =	sld [smem:$0x3FBA];
	_ =	sdelay $0x3  }
0x34: {  	[smem:$0x3FBA] =	sst s10  }
0x35: {  	s10 =	sld [smem:$0x3FB9];
	_ =	sdelay $0x3  }
0x36: {  	p1 =	seq.s32 s10, $0x1;
	s10 =	sld [smem:$0x3FBA];
	_ =	sdelay $0x3  }
0x37: {  	[smem:$0x3FBA] =	sst s10  }
0x38: {  	s10 =	sld [smem:$0x3FBB]  }
0x39: {  	_ = 	snop;
	(pc) =	sbr.ind lr, $3  }
0x3a: {  	_ = 	snop  }
0x3b: {  	_ = 	snop  }
0x3c: {  	p2 =	seq.s32 s10, $0x1;
	s10 =	sld [smem:$0x3FBA]  }
0x3d: {  	_ =	shalt  }
0x3e: {  	_ =	shalt  }
0x3f: {  	_ =	shalt  }
0x40: {  	_ =	shalt  }
0x41: {  	_ =	shalt  }
0x42: {  	_ =	shalt  }
0x43: {  	_ =	shalt  }
0x44: {  	_ =	shalt  }
0x45: {  	_ =	shalt  }
0x46: {  	_ =	shalt  }
0x47: {  	_ =	shalt  }
0x48: {  	_ =	shalt  }
0x49: {  	_ =	shalt  }
0x4a: {  	_ =	shalt  }
0x4b: {  	_ =	shalt  }
0x4c: {  	_ =	shalt  }
0x4d: {  	_ =	shalt  }
0x4e: {  	_ =	shalt  }
0x4f: {  	_ =	shalt  }
0x50: {  	_ =	shalt  }
0x51: {  	_ =	shalt  }
0x52: {  	_ =	shalt  }
0x53: {  	_ =	shalt  }
0x54: {  	_ =	shalt  }
0x55: {  	_ =	shalt  }
0x56: {  	_ =	shalt  }
0x57: {  	_ =	shalt  }
0x58: {  	_ =	shalt  }
0x59: {  	_ =	shalt  }
0x5a: {  	_ =	shalt  }
0x5b: {  	_ =	shalt  }
0x5c: {  	_ =	shalt  }
0x5d: {  	_ =	shalt  }
0x5e: {  	_ =	shalt  }
0x5f: {  	_ =	shalt  }
0x60: {  	_ =	shalt  }
0x61: {  	_ =	shalt  }
0x62: {  	_ =	shalt  }
0x63: {  	_ =	shalt  }
0x64: {  	_ =	shalt  }
0x65: {  	_ =	shalt  }
0x66: {  	_ =	shalt  }
0x67: {  	_ =	shalt  }
0x68: {  	_ =	shalt  }
0x69: {  	_ =	shalt  }
0x6a: {  	_ =	shalt  }
0x6b: {  	_ =	shalt  }
0x6c: {  	_ =	shalt  }
0x6d: {  	_ =	shalt  }
0x6e: {  	_ =	shalt  }
0x6f: {  	_ =	shalt  }
0x70: {  	_ =	shalt  }
0x71: {  	_ =	shalt  }
0x72: {  	_ =	shalt  }
0x73: {  	_ =	shalt  }
0x74: {  	_ =	shalt  }
0x75: {  	_ =	shalt  }
0x76: {  	_ =	shalt  }
0x77: {  	_ =	shalt  }
0x78: {  	_ =	shalt  }
0x79: {  	_ =	shalt  }
0x7a: {  	_ =	shalt  }
0x7b: {  	_ =	shalt  }
0x7c: {  	_ =	shalt  }
0x7d: {  	_ =	shalt  }
0x7e: {  	_ =	shalt  }
0x7f: {  	_ =	shalt  }
0x80: {  	_ =	shalt  }
0x81: {  	_ =	shalt  }
0x82: {  	_ =	shalt  }
0x83: {  	_ =	shalt  }
0x84: {  	_ =	shalt  }
0x85: {  	_ =	shalt  }
0x86: {  	_ =	shalt  }
0x87: {  	_ =	shalt  }
.Lfunc_end0:
.L_simem_size_0:
called_computation_lowered:
.L_overlay_start_0:
0x88: {  	s2 =	sld [smem:$0x3FD9]  }
0x89: {  	s3 =	sld [smem:$0x3FFE];
	_ =	sdelay $0x1  }
0x8a: {  	s1 =	srdreg.scid  }
0x8b: {  	s0 =	sand.u32 $0x1, s1  }
0x8c: {  	s17 =	sshll.u32 s0, $0xA;
	s2 =	sadd.s32 s3, s2  }
0x8d: {  	s2 =	sadd.s32 s2, s17  }
0x8e: {  	[smem:$0x3FC6] =	sst s2  }
0x8f: {  	_ = 	snop  }
0x90: {  	s2 =	sld [smem:$0x3FD0];
	(tm) =	ssettm $0x1  }
0x91: {  	s18 =	sld [smem:$0x3FFB];
	_ =	sdelay $0x3  }
0x92: {  	_ =	strace s18  }
0x93: {  	s3 =	sld [smem:$0x3FFC];
	_ =	sdelay $0x3  }
0x94: {  	_ =	strace s3  }
0x95: {  	s3 =	sld [smem:$0x3FFD];
	_ =	sdelay $0x3  }
0x96: {  	_ =	strace s3  }
0x97: {  	_ =	strace $0x8FFFFFFF  }
0x98: {  	s19 =	sld [smem:$0x3FDB];
	_ =	sdelay $0x1  }
0x99: {  	s4 =	simm.s32 $_scs_section_size  }
0x9a: {  	s5 =	simm.s32 $_size__tile_overlayer_lowered;
	s6 =	simm.s32 $_tile_overlayer_lowered  }
0x9b: {  	s22 =	simm.s32 $0x1BFF;
	s21 =	sshll.u32 s6, $0x1;
	s3 =	sadd.s32 s4, s19  }
0x9c: {  	s7 =	simm.s32 $0x0;
	s20 =	sshll.u32 s5, $0x1;
	s5 =	sadd.s32 s21, s3  }
0x9d: {  	[timem:s7], [sflag:s22] =	dma.local [hbm:s5], s20  }
0x9e: {  	_ =	swait.ge [sflag:s22], s20  }
0x9f: {  	s4 =	ssub.s32 $0x0, s20;
	[sflag:s22] =	ssyncset.done $0x0  }
0xa0: {  	[sflag:s22] =	ssyncadd.s32 s4;
	_ =	sdelay $0x1  }
0xa1: {  	s23 =	simm.s32 $0x1B8B  }
0xa2: {  	_ =	swait.ge [sflag:s23], $0x1  }
0xa3: {  	[sflag:s23] =	ssyncset.done $0x0  }
0xa4: {  	s25 =	simm.s32 $0x1B8E;
	s24 =	sld [smem:$0x3FFE];
	[sflag:s23] =	ssyncadd.s32 $0xFFFFFFFF  }
0xa5: {  	s26 =	simm.s32 $execute0_lowered;
	[smem:$0x3FD2] =	sst s25  }
0xa6: {  	s5 =	sshll.u32 s26, $0x1;
	_ =	strace $0x80000046;
	[dreg:$0x1] =	wrdreg $0xFFFFFFFF  }
0xa7: {  	s28 =	simm.s32 $_size_execute0_lowered;
	s3 =	sadd.s32 s3, s5;
	[dreg:$0x0] =	wrdreg $0x0  }
0xa8: {  	s5 =	sshll.u32 s28, $0x1;
	[dreg:$0x2] =	wrdreg s3  }
0xa9: {  	[dreg:$0x3] =	wrdreg s5  }
0xaa: {  	[dreg:$0x4] =	wrdreg $0xC0  }
0xab: {  	_ =	task [dreg:s7], $0x5FFFF  }
0xac: {  	[dreg:$0x1] =	wrdreg $0xFFFFFFFF  }
0xad: {  	[dreg:$0x0] =	wrdreg $0x60  }
0xae: {  	[dreg:$0x2] =	wrdreg s24  }
0xaf: {  	[dreg:$0x3] =	wrdreg s2  }
0xb0: {  	[dreg:$0x4] =	wrdreg $0x9  }
0xb1: {  	_ =	task.clear_ibuf [dreg:s7], $0x5FFFF;
	_ =	strace $0x90000046  }
0xb2: {  	s29 =	simm.s32 $0x9;
	_ =	strace $0x80000048  }
0xb3: {  	_ =	swait.ge [sflag:s29], $0x1  }
0xb4: {  	[sflag:s29] =	ssyncadd.s32 $0xFFFFFFFF  }
0xb5: {  	_ =	strace $0x90000048  }
0xb6: {  	_ =	sfence  }
0xb7: {  	s30 =	sld [smem:$0x0];
	_ =	sdelay $0x2  }
0xb8: {  	s31 =	sshll.u32 s1, $0xD;
	s1 =	sshrl.u32 s1, $0x2  }
0xb9: {  	s3 =	sand.u32 $0x4000, s31;
	s1 =	sadd.s32 s1, s30  }
0xba: {  	s0 =	sor.u32 s3, s0;
	s1 =	sshll.u32 s1, $0x11  }
0xbb: {  	s0 =	sor.u32 s1, s0  }
0xbc: {  	s0 =	sadd.s32 $0x8F2B, s0  }
0xbd: {  	[sflag:s0] =	ssyncadd.remote.s32 $0x1  }
0xbe: {  	_ =	sfence.sel $0xFFFF  }
0xbf: {  	[dreg:$0x0] =	wrdreg $0xFFFFFFFF;
	(pc) =	sbr.abs _section_cstart, $3  }
0xc0: {  	[dreg:$0x1] =	wrdreg $0xFFFFFFFF  }
0xc1: {  	_ =	task.clear_ibuf [dreg:s7], $0x2FFFF;
	_ =	strace $0x9FFFFFFF  }
0xc2: {  	(tm) =	ssettm $0x7FFFFFFF  }
0xc3: {  	_ =	shalt  }
tec
execute0_lowered:
.L_overlay_start_1:
0x0: {  	(tag) =	ssettag $0x1  }
0x1: {  	s2 =	rddreg [dreg:$0x0]  }
0x2: {  	s1 =	srdreg.scid;
	s0 =	stileid.u32  }
0x3: {  	s4 =	rddreg [dreg:$0x1];
	s9 =	sand.u32 $0x1, s1;
	s5 =	sshll.u32 s0, $0x1  }
0x4: {  	s3 =	simm.s32 $0x0;
	s1 =	rddreg [dreg:$0x2];
	s10 =	sor.u32 s9, s5  }
0x5: {  	[smem:$0x7FF] =	sst s3;
	s5 =	sshll.u32 s10, $0x5  }
0x6: {  	_ =	strace $0x80000047;
	s5 =	sadd.s32 s4, s5;
	s4 =	simm.s32 $0x2  }
0x7: {  	[tilespmem:s3], [sflag:$0x2] =	stream.linear.gather [hbm4b:s5+s3], $0x100, $0x38;
	[tilespmem:$0x5100] =	vst v63  }
0x8: {  	_ =	swait.ge [sflag:s4], $0x100  }
0x9: {  	s6 =	simm.s32 $0x50;
	s7 =	simm.s32 $0x100;
	[sflag:s4] =	ssyncset.done $0x0  }
0xa: {  	s8 =	simm.s32 $0x1;
	s12 =	ssub.s32 $0x2, s9;
	[sflag:s4] =	ssyncadd.s32 $0xFFFFFF00  }
0xb: {  	[tilespmem:s7], [sflag:$0x1] =	stream.indirect.gather [hbm4b:s2+s6], $0x80, s3, s6, $0xb8;
	[tilespmem:$0x5100] =	vst v63  }
0xc: {  	s9 =	simm.s32 $0x80;
	s13 =	sshrl.u32 s12, $0x1;
	_ =	swait.ge [sflag:s8], $0x2800  }
0xd: {  	s11 =	smul.u32 $0xA00, s10;
	s12 =	ssub.s32 s12, s13;
	[sflag:s8] =	ssyncset.done $0x0  }
0xe: {  	s10 =	simm.s32 $0x2900;
	s12 =	smax.u32 s12, $0x1;
	[sflag:s8] =	ssyncadd.s32 $0xFFFFD800  }
0xf: {  	[tilespmem:s10], [sflag:$0x1] =	stream.indirect.gather [hbm4b:s2+s6], $0x80, s9, s6, $0xb8;
	[tilespmem:$0x5100] =	vst v63  }
0x10: {  	p0 =	sne.s32 s12, $0x1;
	_ =	swait.ge [sflag:s8], $0x2800  }
.Ltmp0:
0x11: {  	s11 =	sadd.s32 s11, s2;
	[sflag:s8] =	ssyncset.done $0x0;
	(pc) =	sbr.rel @!p0 .LBB2_2-.Ltmp0, $4  }
0x12: {  	s11 =	sadd.s32 $0x13A00, s11;
	[sflag:s8] =	ssyncadd.s32 $0xFFFFD800  }
0x13: {  	[hbm4b:s11+s3] =	stream.linear.scatter [tilespmem:s7], [sflag:$0x2], $0x5000, $0x38;
	[tilespmem:$0x5100] =	vst v63  }
0x14: {  	_ =	swait.ge [sflag:s4], $0x5000  }
0x15: {  	s12 =	sadd.s32 $0xFFFFFFFF, s12;
	[sflag:s4] =	ssyncset.done $0x0  }
.LBB2_1:
0x16: {  	p0 =	sne.s32 s12, $0x1;
	s12 =	sadd.s32 $0xFFFFFFFF, s12;
	[sflag:s4] =	ssyncadd.s32 $0xFFFFB000  }
0x17: {  	[tilespmem:s3], [sflag:$0x2] =	stream.linear.gather [hbm4b:s5+s3], $0x100, $0x38;
	[tilespmem:$0x5100] =	vst v63  }
0x18: {  	_ =	swait.ge [sflag:s4], $0x100  }
0x19: {  	[sflag:s4] =	ssyncset.done $0x0  }
0x1a: {  	[sflag:s4] =	ssyncadd.s32 $0xFFFFFF00  }
0x1b: {  	[tilespmem:s7], [sflag:$0x1] =	stream.indirect.gather [hbm4b:s2+s6], $0x80, s3, s6, $0xb8;
	[tilespmem:$0x5100] =	vst v63  }
0x1c: {  	_ =	swait.ge [sflag:s8], $0x2800  }
0x1d: {  	[sflag:s8] =	ssyncset.done $0x0  }
0x1e: {  	[sflag:s8] =	ssyncadd.s32 $0xFFFFD800  }
0x1f: {  	[tilespmem:s10], [sflag:$0x1] =	stream.indirect.gather [hbm4b:s2+s6], $0x80, s9, s6, $0xb8;
	[tilespmem:$0x5100] =	vst v63  }
0x20: {  	_ =	swait.ge [sflag:s8], $0x2800  }
.Ltmp1:
0x21: {  	[sflag:s8] =	ssyncset.done $0x0;
	(pc) =	sbr.rel @p0 .LBB2_1-.Ltmp1, $4  }
0x22: {  	[sflag:s8] =	ssyncadd.s32 $0xFFFFD800  }
0x23: {  	[hbm4b:s11+s3] =	stream.linear.scatter [tilespmem:s7], [sflag:$0x2], $0x5000, $0x38;
	[tilespmem:$0x5100] =	vst v63  }
0x24: {  	_ =	swait.ge [sflag:s4], $0x5000  }
0x25: {  	[sflag:s4] =	ssyncset.done $0x0  }
.LBB2_2:
0x26: {  	[sflag:s4] =	ssyncadd.s32 $0xFFFFB000  }
0x27: {  	_ =	sfence.sel $0x180000  }
0x28: {  	[bflag:$0x0] =	sbarrier.arrive $0xFFFF  }
0x29: {  	p0 =	sne.s32 s0, $0x0;
	_ =	strace $0x90000047  }
0x2a: {  	s0 =	sadd.s32 @!p0 $0x100000, s1;
	[bflag:$0x2] =	sbarrier.arrive $0xFFFF  }
0x2b: {  	[sflag:s0] =	ssyncadd.tile.s32 @!p0 $0x1;
	_ =	shalt  }
.Lfunc_end2:
_tile_overlayer_lowered:
.L_overlay_start_2:
0x2c: {  	(tag) =	ssettag $0x2  }
0x2d: {  	s0 =	rddreg [dreg:$0x0];
	s2 =	stileid.u32  }
0x2e: {  	s1 =	rddreg [dreg:$0x1];
	p0 =	sne.s32 s2, $0x0  }
0x2f: {  	s3 =	rddreg [dreg:$0x2];
	[bflag:$0x3] =	sbarrier.arrive $0xFFFF;
	s2 =	simm.s32 @!p0 $0x1C02  }
0x30: {  	[timem:s3], [sflag:s2] =	dma.local @!p0 [hbm:s0], s1  }
0x31: {  	s0 =	simm.s32 @!p0 $0x2  }
0x32: {  	_ =	swait.ge @!p0 [sflag:s0], s1  }
0x33: {  	s1 =	ssub.s32 @!p0 $0x0, s1;
	[sflag:s0] =	ssyncset.done @!p0 $0x0  }
0x34: {  	[sflag:s0] =	ssyncadd.s32 @!p0 s1  }
0x35: {  	[bflag:$0x3] =	sbarrier.arrive $0xFFFF  }
0x36: {  	_ =	shalt  }

</sc_bundles>
